<compile_context>
chip_gen: v7x
topology: tpu7x:2x2x1
jax: 0.10.2.dev20260603
libtpu: 0.0.44.dev20260713+nightly
codegen_flags: <defaults>
</compile_context>

<pallas_src>
import functools

import jax
import jax.numpy as jnp
from jax import lax
from jax.experimental import pallas as pl
from jax.experimental.pallas import tpu as pltpu
from jax.experimental.pallas import tpu_sc as plsc

N = 4194304
M = 2097152
_CHUNK = 4096
_LANES = 16


@functools.cache
def _build():
    info = plsc.get_sparse_core_info()
    nc, ns = info.num_cores, info.num_subcores
    nw = nc * ns
    per_w = M // nw
    n_chunks = per_w // _CHUNK

    mesh = plsc.VectorSubcoreMesh(core_axis_name="c", subcore_axis_name="s")

    @functools.partial(
        pl.kernel,
        mesh=mesh,
        out_type=(
            jax.ShapeDtypeStruct((M,), jnp.int32),
            jax.ShapeDtypeStruct((2 * M,), jnp.float32),
            jax.ShapeDtypeStruct((M,), jnp.float32),
        ),
        scratch_types=[
            pltpu.VMEM((_CHUNK,), jnp.int32),
            pltpu.VMEM((2 * _CHUNK,), jnp.int32),
            pltpu.VMEM((_CHUNK,), jnp.int32),
            pltpu.VMEM((2 * _CHUNK,), jnp.float32),
            pltpu.VMEM((_CHUNK,), jnp.float32),
            pltpu.SemaphoreType.DMA,
            pltpu.SemaphoreType.DMA,
            pltpu.SemaphoreType.DMA,
        ],
        compiler_params=pltpu.CompilerParams(use_tc_tiling_on_sc=False,
                                             needs_layout_passes=False),
    )
    def gather_kernel(index_hbm, points_hbm, depth_hbm, fidx_hbm,
                      out_idx_hbm, out_pts_hbm, out_dep_hbm,
                      idx_v, pidx_v, oi_v, op_v, od_v, sem_i, sem_p, sem_d):
        wid = lax.axis_index("s") * nc + lax.axis_index("c")
        base = wid * per_w

        def body(ci, carry):
            off = base + ci * _CHUNK
            pltpu.sync_copy(fidx_hbm.at[pl.ds(off, _CHUNK)], idx_v)
            cp_i = pltpu.async_copy(index_hbm.at[idx_v], oi_v, sem_i)
            cp_d = pltpu.async_copy(depth_hbm.at[idx_v], od_v, sem_d)

            def ibody(k, carry2):
                f = idx_v[pl.ds(k * _LANES, _LANES)]
                px = f * 2 - lax.rem(f, 128)
                dst = (k // 8) * 256 + (k % 8) * _LANES
                pidx_v[pl.ds(dst, _LANES)] = px
                pidx_v[pl.ds(dst + 128, _LANES)] = px + 128
                return carry2

            lax.fori_loop(0, _CHUNK // _LANES, ibody, 0)
            cp_p = pltpu.async_copy(points_hbm.at[pidx_v], op_v, sem_p)
            cp_i.wait()
            cp_d.wait()
            pltpu.sync_copy(oi_v, out_idx_hbm.at[pl.ds(off, _CHUNK)])
            pltpu.sync_copy(od_v, out_dep_hbm.at[pl.ds(off, _CHUNK)])
            cp_p.wait()
            pltpu.sync_copy(op_v, out_pts_hbm.at[pl.ds(2 * off, 2 * _CHUNK)])
            return carry

        lax.fori_loop(0, n_chunks, body, 0)

    return gather_kernel


def kernel(index, points, depth, frame_indices):
    pts_blocked = points.reshape(N // 128, 128, 2).transpose(0, 2, 1)
    out_idx, out_pts_flat, out_dep = _build()(
        index, pts_blocked.reshape(2 * N), depth, frame_indices)
    out_pts = (out_pts_flat.reshape(M // 128, 2, 128)
               .transpose(0, 2, 1).reshape(M, 2))
    return (out_idx, out_pts, out_dep)

# --- scband reference (transcript-rebuilt; emitter-appended) ---
"""Pipeline reference for scband-feature-data-79070347919585 (READ-ONLY COPY).

The authoritative reference and input builder live on the scoring server;
editing this copy changes nothing except your own understanding.
"""

import jax, jax.numpy as jnp
import numpy as np

N = 4194304
M = 2097152
NUM_FRAMES = 30000

def setup_inputs(seed: int = 0) -> dict:
    key = jax.random.key(seed)
    k1, k2, k3, k4 = jax.random.split(key, 4)
    index = jax.random.randint(k1, (N,), 0, NUM_FRAMES, dtype=jnp.int64 if jax.config.jax_enable_x64 else jnp.int32).astype(jnp.int32)
    points = jax.random.uniform(k2, (N, 2), dtype=jnp.float32)
    depth = jax.random.uniform(k3, (N,), dtype=jnp.float32)
    frame_indices = jax.random.randint(k4, (M,), 0, N, dtype=jnp.int32)
    return {"index": index, "points": points, "depth": depth, "frame_indices": frame_indices}

def reference(index, points, depth, frame_indices):
    # FeatureData.sample_at: gather rows of each buffer at frame_indices,
    # producing a new FeatureData (index, points, depth) triple.
    index_sel = jnp.take(index, frame_indices, axis=0)
    points_sel = jnp.take(points, frame_indices, axis=0)
    depth_sel = jnp.take(depth, frame_indices, axis=0)
    return (index_sel, points_sel, depth_sel)

if __name__ == "__main__":
    import jax
    _d = setup_inputs()
    print(jax.jit(kernel)(*tuple(_d.values())))

</pallas_src>

<mosaic_0001>
#map = affine_map<(d0, d1) -> (0)>
module attributes {stable_mosaic.version = 14 : i64} {
  func.func @gather_kernel(%arg0: i32, %arg1: i32, %arg2: memref<4194304xi32, #tpu.memory_space<hbm>>, %arg3: memref<8388608xf32, #tpu.memory_space<hbm>>, %arg4: memref<4194304xf32, #tpu.memory_space<hbm>>, %arg5: memref<2097152xi32, #tpu.memory_space<hbm>>, %arg6: memref<2097152xi32, #tpu.memory_space<hbm>>, %arg7: memref<4194304xf32, #tpu.memory_space<hbm>>, %arg8: memref<2097152xf32, #tpu.memory_space<hbm>>, %arg9: memref<4096xi32, #tpu.memory_space<vmem>>, %arg10: memref<8192xi32, #tpu.memory_space<vmem>>, %arg11: memref<4096xi32, #tpu.memory_space<vmem>>, %arg12: memref<8192xf32, #tpu.memory_space<vmem>>, %arg13: memref<4096xf32, #tpu.memory_space<vmem>>, %arg14: memref<!tpu.dma_semaphore, #tpu.memory_space<semaphore_mem>>, %arg15: memref<!tpu.dma_semaphore, #tpu.memory_space<semaphore_mem>>, %arg16: memref<!tpu.dma_semaphore, #tpu.memory_space<semaphore_mem>>) attributes {dimension_semantics = [#tpu.dimension_semantics<core_parallel>, #tpu.dimension_semantics<subcore_parallel>], iteration_bounds = array<i64: 2, 16>, scalar_prefetch = 0 : i64, scratch_operands = 8 : i64, tpu.core_type = #tpu.core_type<sc_vector_subcore>, window_params = [{transform_indices = #map}, {transform_indices = #map}, {transform_indices = #map}, {transform_indices = #map}, {transform_indices = #map}, {transform_indices = #map}, {transform_indices = #map}]} {
    %mul3A = arith.constant 2 : i32
    %mul3A_0 = arith.muli %arg1, %mul3A : i32
    %add3A = arith.addi %mul3A_0, %arg0 : i32
    %mul3A_1 = arith.constant 65536 : i32
    %mul3A_2 = arith.muli %add3A, %mul3A_1 : i32
    %scan3A = arith.constant 0 : i32
    %scan3A_3 = arith.constant 0 : i32
    %scan3A_4 = arith.constant 16 : i32
    %scan3A_5 = arith.addi %scan3A_3, %scan3A_4 : i32
    %scan3A_6 = arith.constant 1 : i32
    scf.for %scan3A_8 = %scan3A_3 to %scan3A_5 step %scan3A_6  : i32 {
      %mul3A_9 = arith.constant 4096 : i32
      %mul3A_10 = arith.muli %scan3A_8, %mul3A_9 : i32
      %add3A_11 = arith.addi %mul3A_2, %mul3A_10 : i32
      "tpu.region"() ({
        %run_scoped3A = tpu.sem_alloc : memref<!tpu.dma_semaphore, #tpu.memory_space<semaphore_mem>>
        %dma_start3A_30 = tpu.memref_slice %arg5[%add3A_11] : memref<2097152xi32, #tpu.memory_space<hbm>> -> memref<4096xi32, #tpu.memory_space<hbm>>
        %dma_start3A_31 = tpu.memref_slice %arg5[%add3A_11] : memref<2097152xi32, #tpu.memory_space<hbm>> -> memref<4096xi32, #tpu.memory_space<hbm>>
        tpu.enqueue_dma source(%dma_start3A_31 : memref<4096xi32, #tpu.memory_space<hbm>>) target(%arg9 : memref<4096xi32, #tpu.memory_space<vmem>>) target_semaphore(%run_scoped3A : memref<!tpu.dma_semaphore, #tpu.memory_space<semaphore_mem>>)
        %dma_wait3A_32 = tpu.memref_slice %arg5[%add3A_11] : memref<2097152xi32, #tpu.memory_space<hbm>> -> memref<4096xi32, #tpu.memory_space<hbm>>
        %dma_wait3A_33 = tpu.memref_slice %arg5[%add3A_11] : memref<2097152xi32, #tpu.memory_space<hbm>> -> memref<4096xi32, #tpu.memory_space<hbm>>
        tpu.wait_dma2 semaphore(%run_scoped3A : memref<!tpu.dma_semaphore, #tpu.memory_space<semaphore_mem>>) src(%dma_wait3A_33 : memref<4096xi32, #tpu.memory_space<hbm>>) dst(%arg9 : memref<4096xi32, #tpu.memory_space<vmem>>)
        tpu.yield
      }) : () -> ()
      %dma_start3A = arith.constant 0 : i32
      %dma_start3A_12 = tpu.memref_slice %arg2[%dma_start3A] : memref<4194304xi32, #tpu.memory_space<hbm>> -> memref<4194304xi32, #tpu.memory_space<hbm>>
      tpu.enqueue_indirect_dma source(%dma_start3A_12 : memref<4194304xi32, #tpu.memory_space<hbm>>) target(%arg11 : memref<4096xi32, #tpu.memory_space<vmem>>) offsets(%arg9 : memref<4096xi32, #tpu.memory_space<vmem>>) semaphore(%arg14 : memref<!tpu.dma_semaphore, #tpu.memory_space<semaphore_mem>>)
      %dma_start3A_13 = arith.constant 0 : i32
      %dma_start3A_14 = tpu.memref_slice %arg4[%dma_start3A_13] : memref<4194304xf32, #tpu.memory_space<hbm>> -> memref<4194304xf32, #tpu.memory_space<hbm>>
      tpu.enqueue_indirect_dma source(%dma_start3A_14 : memref<4194304xf32, #tpu.memory_space<hbm>>) target(%arg13 : memref<4096xf32, #tpu.memory_space<vmem>>) offsets(%arg9 : memref<4096xi32, #tpu.memory_space<vmem>>) semaphore(%arg16 : memref<!tpu.dma_semaphore, #tpu.memory_space<semaphore_mem>>)
      %scan3A_15 = arith.constant 0 : i32
      %scan3A_16 = arith.constant 0 : i32
      %scan3A_17 = arith.constant 256 : i32
      %scan3A_18 = arith.addi %scan3A_16, %scan3A_17 : i32
      %scan3A_19 = arith.constant 1 : i32
      scf.for %scan3A_30 = %scan3A_16 to %scan3A_18 step %scan3A_19  : i32 {
        %mul3A_31 = arith.constant 16 : i32
        %mul3A_32 = arith.muli %scan3A_30, %mul3A_31 : i32
        %get3A = arith.index_cast %mul3A_32 : i32 to index
        %get3A_33 = tpu.vector_load %arg9[%get3A] {strides = array<i32>} : memref<4096xi32, #tpu.memory_space<vmem>>, vector<16xi32>,
        %mul3A_34 = arith.constant 2 : i32
        %mul3A_35 = vector.broadcast %mul3A_34 : i32 to vector<16xi32>
        %mul3A_36 = arith.muli %get3A_33, %mul3A_35 : vector<16xi32>
        %rem3A = arith.constant 128 : i32
        %rem3A_37 = vector.broadcast %rem3A : i32 to vector<16xi32>
        %rem3A_38 = arith.remsi %get3A_33, %rem3A_37 : vector<16xi32>
        %sub3A = arith.subi %mul3A_36, %rem3A_38 : vector<16xi32>
        %jit3A = arith.constant 8 : i32
        %div3A = arith.divsi %scan3A_30, %jit3A : i32
        %sign3A = arith.constant 0 : i32
        %sign3A_39 = arith.cmpi sgt, %scan3A_30, %sign3A : i32
        %sign3A_40 = arith.extui %sign3A_39 : i1 to i32
        %sign3A_41 = arith.constant 0 : i32
        %sign3A_42 = arith.cmpi slt, %scan3A_30, %sign3A_41 : i32
        %sign3A_43 = arith.extui %sign3A_42 : i1 to i32
        %sign3A_44 = arith.subi %sign3A_40, %sign3A_43 : i32
        %sign3A_45 = arith.constant 0 : i32
        %sign3A_46 = arith.cmpi sgt, %jit3A, %sign3A_45 : i32
        %sign3A_47 = arith.extui %sign3A_46 : i1 to i32
        %sign3A_48 = arith.constant 0 : i32
        %sign3A_49 = arith.cmpi slt, %jit3A, %sign3A_48 : i32
        %sign3A_50 = arith.extui %sign3A_49 : i1 to i32
        %sign3A_51 = arith.subi %sign3A_47, %sign3A_50 : i32
        %ne3A = arith.cmpi ne, %sign3A_44, %sign3A_51 : i32
        %rem3A_52 = arith.remsi %scan3A_30, %jit3A : i32
        %ne3A_53 = arith.constant 0 : i32
        %ne3A_54 = arith.cmpi ne, %rem3A_52, %ne3A_53 : i32
        %and3A = arith.andi %ne3A, %ne3A_54 : i1
        %sub3A_55 = arith.constant 1 : i32
        %sub3A_56 = arith.subi %div3A, %sub3A_55 : i32
        %select_n3A = arith.select %and3A, %sub3A_56, %div3A : i32
        %mul3A_57 = arith.constant 256 : i32
        %mul3A_58 = arith.muli %select_n3A, %mul3A_57 : i32
        %jit3A_59 = arith.constant 8 : i32
        %eq3A = arith.constant 0 : i32
        %eq3A_60 = arith.cmpi eq, %jit3A_59, %eq3A : i32
        %jit3A_61 = arith.constant 1 : i32
        %select_n3A_62 = arith.select %eq3A_60, %jit3A_61, %jit3A_59 : i32
        %rem3A_63 = arith.remsi %scan3A_30, %select_n3A_62 : i32
        %ne3A_64 = arith.constant 0 : i32
        %ne3A_65 = arith.cmpi ne, %rem3A_63, %ne3A_64 : i32
        %lt3A = arith.constant 0 : i32
        %lt3A_66 = arith.cmpi slt, %rem3A_63, %lt3A : i32
        %lt3A_67 = arith.constant 0 : i32
        %lt3A_68 = arith.cmpi slt, %select_n3A_62, %lt3A_67 : i32
        %ne3A_69 = arith.xori %lt3A_66, %lt3A_68 : i1
        %and3A_70 = arith.andi %ne3A_69, %ne3A_65 : i1
        %add3A_71 = arith.addi %rem3A_63, %select_n3A_62 : i32
        %select_n3A_72 = arith.select %and3A_70, %add3A_71, %rem3A_63 : i32
        %mul3A_73 = arith.constant 16 : i32
        %mul3A_74 = arith.muli %select_n3A_72, %mul3A_73 : i32
        %add3A_75 = arith.addi %mul3A_58, %mul3A_74 : i32
        %swap3A = arith.index_cast %add3A_75 : i32 to index
        %swap3A_76 = tpu.vector_load %arg10[%swap3A] {strides = array<i32>} : memref<8192xi32, #tpu.memory_space<vmem>>, vector<16xi32>,
        tpu.vector_store %arg10[%swap3A], %sub3A {strides = array<i32>} : memref<8192xi32, #tpu.memory_space<vmem>>, vector<16xi32>,
        %add3A_77 = arith.constant 128 : i32
        %add3A_78 = vector.broadcast %add3A_77 : i32 to vector<16xi32>
        %add3A_79 = arith.addi %sub3A, %add3A_78 : vector<16xi32>
        %add3A_80 = arith.constant 128 : i32
        %add3A_81 = arith.addi %add3A_75, %add3A_80 : i32
        %swap3A_82 = arith.index_cast %add3A_81 : i32 to index
        %swap3A_83 = tpu.vector_load %arg10[%swap3A_82] {strides = array<i32>} : memref<8192xi32, #tpu.memory_space<vmem>>, vector<16xi32>,
        tpu.vector_store %arg10[%swap3A_82], %add3A_79 {strides = array<i32>} : memref<8192xi32, #tpu.memory_space<vmem>>, vector<16xi32>,
      }
      %scan3A_20 = arith.constant 256 : i32
      %dma_start3A_21 = arith.constant 0 : i32
      %dma_start3A_22 = tpu.memref_slice %arg3[%dma_start3A_21] : memref<8388608xf32, #tpu.memory_space<hbm>> -> memref<8388608xf32, #tpu.memory_space<hbm>>
      tpu.enqueue_indirect_dma source(%dma_start3A_22 : memref<8388608xf32, #tpu.memory_space<hbm>>) target(%arg12 : memref<8192xf32, #tpu.memory_space<vmem>>) offsets(%arg10 : memref<8192xi32, #tpu.memory_space<vmem>>) semaphore(%arg15 : memref<!tpu.dma_semaphore, #tpu.memory_space<semaphore_mem>>)
      %dma_wait3A = arith.constant 0 : i32
      %dma_wait3A_23 = tpu.memref_slice %arg2[%dma_wait3A] : memref<4194304xi32, #tpu.memory_space<hbm>> -> memref<4194304xi32, #tpu.memory_space<hbm>>
      tpu.wait_indirect_dma semaphore(%arg14 : memref<!tpu.dma_semaphore, #tpu.memory_space<semaphore_mem>>) src(%dma_wait3A_23 : memref<4194304xi32, #tpu.memory_space<hbm>>) dst(%arg11 : memref<4096xi32, #tpu.memory_space<vmem>>)
      %dma_wait3A_24 = arith.constant 0 : i32
      %dma_wait3A_25 = tpu.memref_slice %arg4[%dma_wait3A_24] : memref<4194304xf32, #tpu.memory_space<hbm>> -> memref<4194304xf32, #tpu.memory_space<hbm>>
      tpu.wait_indirect_dma semaphore(%arg16 : memref<!tpu.dma_semaphore, #tpu.memory_space<semaphore_mem>>) src(%dma_wait3A_25 : memref<4194304xf32, #tpu.memory_space<hbm>>) dst(%arg13 : memref<4096xf32, #tpu.memory_space<vmem>>)
      "tpu.region"() ({
        %run_scoped3A = tpu.sem_alloc : memref<!tpu.dma_semaphore, #tpu.memory_space<semaphore_mem>>
        %dma_start3A_30 = tpu.memref_slice %arg6[%add3A_11] : memref<2097152xi32, #tpu.memory_space<hbm>> -> memref<4096xi32, #tpu.memory_space<hbm>>
        %dma_start3A_31 = tpu.memref_slice %arg6[%add3A_11] : memref<2097152xi32, #tpu.memory_space<hbm>> -> memref<4096xi32, #tpu.memory_space<hbm>>
        tpu.enqueue_dma source(%arg11 : memref<4096xi32, #tpu.memory_space<vmem>>) target(%dma_start3A_31 : memref<4096xi32, #tpu.memory_space<hbm>>) target_semaphore(%run_scoped3A : memref<!tpu.dma_semaphore, #tpu.memory_space<semaphore_mem>>)
        %dma_wait3A_32 = tpu.memref_slice %arg6[%add3A_11] : memref<2097152xi32, #tpu.memory_space<hbm>> -> memref<4096xi32, #tpu.memory_space<hbm>>
        %dma_wait3A_33 = tpu.memref_slice %arg6[%add3A_11] : memref<2097152xi32, #tpu.memory_space<hbm>> -> memref<4096xi32, #tpu.memory_space<hbm>>
        tpu.wait_dma2 semaphore(%run_scoped3A : memref<!tpu.dma_semaphore, #tpu.memory_space<semaphore_mem>>) src(%arg11 : memref<4096xi32, #tpu.memory_space<vmem>>) dst(%dma_wait3A_33 : memref<4096xi32, #tpu.memory_space<hbm>>)
        tpu.yield
      }) : () -> ()
      "tpu.region"() ({
        %run_scoped3A = tpu.sem_alloc : memref<!tpu.dma_semaphore, #tpu.memory_space<semaphore_mem>>
        %dma_start3A_30 = tpu.memref_slice %arg8[%add3A_11] : memref<2097152xf32, #tpu.memory_space<hbm>> -> memref<4096xf32, #tpu.memory_space<hbm>>
        %dma_start3A_31 = tpu.memref_slice %arg8[%add3A_11] : memref<2097152xf32, #tpu.memory_space<hbm>> -> memref<4096xf32, #tpu.memory_space<hbm>>
        tpu.enqueue_dma source(%arg13 : memref<4096xf32, #tpu.memory_space<vmem>>) target(%dma_start3A_31 : memref<4096xf32, #tpu.memory_space<hbm>>) target_semaphore(%run_scoped3A : memref<!tpu.dma_semaphore, #tpu.memory_space<semaphore_mem>>)
        %dma_wait3A_32 = tpu.memref_slice %arg8[%add3A_11] : memref<2097152xf32, #tpu.memory_space<hbm>> -> memref<4096xf32, #tpu.memory_space<hbm>>
        %dma_wait3A_33 = tpu.memref_slice %arg8[%add3A_11] : memref<2097152xf32, #tpu.memory_space<hbm>> -> memref<4096xf32, #tpu.memory_space<hbm>>
        tpu.wait_dma2 semaphore(%run_scoped3A : memref<!tpu.dma_semaphore, #tpu.memory_space<semaphore_mem>>) src(%arg13 : memref<4096xf32, #tpu.memory_space<vmem>>) dst(%dma_wait3A_33 : memref<4096xf32, #tpu.memory_space<hbm>>)
        tpu.yield
      }) : () -> ()
      %dma_wait3A_26 = arith.constant 0 : i32
      %dma_wait3A_27 = tpu.memref_slice %arg3[%dma_wait3A_26] : memref<8388608xf32, #tpu.memory_space<hbm>> -> memref<8388608xf32, #tpu.memory_space<hbm>>
      tpu.wait_indirect_dma semaphore(%arg15 : memref<!tpu.dma_semaphore, #tpu.memory_space<semaphore_mem>>) src(%dma_wait3A_27 : memref<8388608xf32, #tpu.memory_space<hbm>>) dst(%arg12 : memref<8192xf32, #tpu.memory_space<vmem>>)
      %mul3A_28 = arith.constant 2 : i32
      %mul3A_29 = arith.muli %mul3A_28, %add3A_11 : i32
      "tpu.region"() ({
        %run_scoped3A = tpu.sem_alloc : memref<!tpu.dma_semaphore, #tpu.memory_space<semaphore_mem>>
        %dma_start3A_30 = tpu.memref_slice %arg7[%mul3A_29] : memref<4194304xf32, #tpu.memory_space<hbm>> -> memref<8192xf32, #tpu.memory_space<hbm>>
        %dma_start3A_31 = tpu.memref_slice %arg7[%mul3A_29] : memref<4194304xf32, #tpu.memory_space<hbm>> -> memref<8192xf32, #tpu.memory_space<hbm>>
        tpu.enqueue_dma source(%arg12 : memref<8192xf32, #tpu.memory_space<vmem>>) target(%dma_start3A_31 : memref<8192xf32, #tpu.memory_space<hbm>>) target_semaphore(%run_scoped3A : memref<!tpu.dma_semaphore, #tpu.memory_space<semaphore_mem>>)
        %dma_wait3A_32 = tpu.memref_slice %arg7[%mul3A_29] : memref<4194304xf32, #tpu.memory_space<hbm>> -> memref<8192xf32, #tpu.memory_space<hbm>>
        %dma_wait3A_33 = tpu.memref_slice %arg7[%mul3A_29] : memref<4194304xf32, #tpu.memory_space<hbm>> -> memref<8192xf32, #tpu.memory_space<hbm>>
        tpu.wait_dma2 semaphore(%run_scoped3A : memref<!tpu.dma_semaphore, #tpu.memory_space<semaphore_mem>>) src(%arg12 : memref<8192xf32, #tpu.memory_space<vmem>>) dst(%dma_wait3A_33 : memref<8192xf32, #tpu.memory_space<hbm>>)
        tpu.yield
      }) : () -> ()
    }
    %scan3A_7 = arith.constant 16 : i32
    return
  }
}

</mosaic_0001>

<sc_bundles>
// kernel: kernel.3.cloned.1.call-start
scs
__scs_entry_jumppad:
0x0: {  	(pc) =	sbr.rel $0x88, $3  }
0x1: {  	(tag) =	ssettag $0x0;
	lr =	simm.s32 $0x1  }
0x2: {  	[smem:$0x3F9D] =	sst lr;
	_ =	strace $0xD0000000  }
0x3: {  	_ = 	snop  }
0x4: {  	_ = 	snop  }
0x5: {  	_ = 	snop  }
0x6: {  	_ = 	snop  }
0x7: {  	_ = 	snop  }
__scs_overlays_trampoline_lowered:
0x8: {  	[smem:$0x3FAC] =	sst s0  }
0x9: {  	[smem:$0x3FAD] =	sst s1  }
0xa: {  	[smem:$0x3FAE] =	sst s2  }
0xb: {  	[smem:$0x3FAF] =	sst s3  }
0xc: {  	[smem:$0x3FB0] =	sst s4  }
0xd: {  	[smem:$0x3FB1] =	sst s5  }
0xe: {  	[smem:$0x3FB2] =	sst s6  }
0xf: {  	[smem:$0x3FB3] =	sst s7  }
0x10: {  	[smem:$0x3FB4] =	sst s8  }
0x11: {  	[smem:$0x3FB5] =	sst s9;
	s0 =	simm.s32 @!p0 $0x0  }
0x12: {  	s1 =	sld [smem:$0x3F9B];
	s0 =	simm.s32 @p0 $0x1  }
0x13: {  	[smem:$0x3FB6] =	sst s0;
	s0 =	simm.s32 @!p1 $0x0  }
0x14: {  	s2 =	sld [smem:$0x3F9A];
	s0 =	simm.s32 @p1 $0x1  }
0x15: {  	[smem:$0x3FB7] =	sst s0;
	s0 =	simm.s32 @!p2 $0x0  }
0x16: {  	s3 =	sld [smem:$0x3FDB];
	s0 =	simm.s32 @p2 $0x1  }
0x17: {  	s4 =	simm.s32 $0x1BF5;
	[smem:$0x3FB9] =	sst s0  }
0x18: {  	s0 =	sld [smem:$0x3F9C];
	_ =	swait.ge [sflag:s4], $0x0  }
0x19: {  	s7 =	sld [smem:$0x3F9D]  }
0x1a: {  	s8 =	sadd.s32 $0xFFFFE003, lr  }
0x1b: {  	s9 =	sadd.s32 $0xFFFFFEF7, lr;
	s5 =	simm.s32 $0xFFFFFFFF;
	p2 =	slt.u32 s8, $0xFFFFF086  }
0x1c: {  	p1 =	slt.u32 s9, $0xF7A;
	s5 =	simm.s32 @!p2 $0x0  }
0x1d: {  	s5 =	simm.s32 @p1 $0x1;
	p0 =	seq.s32 s7, s2  }
0x1e: {  	s7 =	smul.u32 @!p0 $0xF7A, s2;
	p2 =	seq.s32 @!p0 s5, $0x0  }
0x1f: {  	s9 =	smul.u32 $0xF7A, s1;
	s8 =	simm.s32 @!p0 $0x1BF5;
	p2 =	por !p2, p0  }
0x20: {  	[sflag:s8] =	ssyncset.s32 @!p0 $0xFFFFF086;
	s6 =	sadd.s32 @!p0 s3, s7;
	s7 =	simm.s32 @!p0 $0x108  }
0x21: {  	s3 =	sadd.s32 s3, s9;
	s6 =	sadd.s32 @!p0 $0x88, s6;
	s7 =	simm.s32 @p2 $0x1082  }
0x22: {  	[simem:s7], [sflag:s8] =	dma.local @!p0 [hbm:s6], $0xF7A  }
0x23: {  	s9 =	sor.u32 $0xD0000000, s2;
	s6 =	simm.s32 $0x108;
	_ =	swait.ge @!p0 [sflag:s8], $0x0  }
0x24: {  	s3 =	sadd.s32 $0x88, s3;
	s6 =	simm.s32 @!p1 $0x1082;
	[sflag:s4] =	ssyncset.s32 $0xFFFFF086  }
0x25: {  	[simem:s6], [sflag:s4] =	dma.local [hbm:s3], $0xF7A  }
0x26: {  	[smem:$0x3F9D] =	sst s1;
	(tag) =	ssettag s2;
	_ =	strace s9  }
0x27: {  	s1 =	sld [smem:$0x3FAD]  }
0x28: {  	s2 =	sld [smem:$0x3FAE]  }
0x29: {  	s4 =	sld [smem:$0x3FB0]  }
0x2a: {  	p0 =	seq.s32 s5, $0x0;
	s5 =	sld [smem:$0x3FB1]  }
0x2b: {  	s6 =	sld [smem:$0x3FB2]  }
0x2c: {  	s7 =	sld [smem:$0x3FB3]  }
0x2d: {  	s3 =	simm.s32 $0x108;
	s8 =	sld [smem:$0x3FB4]  }
0x2e: {  	s3 =	simm.s32 @!p0 $0x1082;
	s9 =	sld [smem:$0x3FB5]  }
0x2f: {  	lr =	sadd.s32 s0, s3;
	s0 =	sld [smem:$0x3FAC]  }
0x30: {  	s3 =	sld [smem:$0x3FAF]  }
0x31: {  	[smem:$0x3FB8] =	sst s10  }
0x32: {  	s10 =	sld [smem:$0x3FB6];
	_ =	sdelay $0x3  }
0x33: {  	p0 =	seq.s32 s10, $0x1;
	s10 =	sld [smem:$0x3FB8];
	_ =	sdelay $0x3  }
0x34: {  	[smem:$0x3FB8] =	sst s10  }
0x35: {  	s10 =	sld [smem:$0x3FB7];
	_ =	sdelay $0x3  }
0x36: {  	p1 =	seq.s32 s10, $0x1;
	s10 =	sld [smem:$0x3FB8];
	_ =	sdelay $0x3  }
0x37: {  	[smem:$0x3FB8] =	sst s10  }
0x38: {  	s10 =	sld [smem:$0x3FB9]  }
0x39: {  	_ = 	snop;
	(pc) =	sbr.ind lr, $3  }
0x3a: {  	_ = 	snop  }
0x3b: {  	_ = 	snop  }
0x3c: {  	p2 =	seq.s32 s10, $0x1;
	s10 =	sld [smem:$0x3FB8]  }
0x3d: {  	_ =	shalt  }
0x3e: {  	_ =	shalt  }
0x3f: {  	_ =	shalt  }
0x40: {  	_ =	shalt  }
0x41: {  	_ =	shalt  }
0x42: {  	_ =	shalt  }
0x43: {  	_ =	shalt  }
0x44: {  	_ =	shalt  }
0x45: {  	_ =	shalt  }
0x46: {  	_ =	shalt  }
0x47: {  	_ =	shalt  }
0x48: {  	_ =	shalt  }
0x49: {  	_ =	shalt  }
0x4a: {  	_ =	shalt  }
0x4b: {  	_ =	shalt  }
0x4c: {  	_ =	shalt  }
0x4d: {  	_ =	shalt  }
0x4e: {  	_ =	shalt  }
0x4f: {  	_ =	shalt  }
0x50: {  	_ =	shalt  }
0x51: {  	_ =	shalt  }
0x52: {  	_ =	shalt  }
0x53: {  	_ =	shalt  }
0x54: {  	_ =	shalt  }
0x55: {  	_ =	shalt  }
0x56: {  	_ =	shalt  }
0x57: {  	_ =	shalt  }
0x58: {  	_ =	shalt  }
0x59: {  	_ =	shalt  }
0x5a: {  	_ =	shalt  }
0x5b: {  	_ =	shalt  }
0x5c: {  	_ =	shalt  }
0x5d: {  	_ =	shalt  }
0x5e: {  	_ =	shalt  }
0x5f: {  	_ =	shalt  }
0x60: {  	_ =	shalt  }
0x61: {  	_ =	shalt  }
0x62: {  	_ =	shalt  }
0x63: {  	_ =	shalt  }
0x64: {  	_ =	shalt  }
0x65: {  	_ =	shalt  }
0x66: {  	_ =	shalt  }
0x67: {  	_ =	shalt  }
0x68: {  	_ =	shalt  }
0x69: {  	_ =	shalt  }
0x6a: {  	_ =	shalt  }
0x6b: {  	_ =	shalt  }
0x6c: {  	_ =	shalt  }
0x6d: {  	_ =	shalt  }
0x6e: {  	_ =	shalt  }
0x6f: {  	_ =	shalt  }
0x70: {  	_ =	shalt  }
0x71: {  	_ =	shalt  }
0x72: {  	_ =	shalt  }
0x73: {  	_ =	shalt  }
0x74: {  	_ =	shalt  }
0x75: {  	_ =	shalt  }
0x76: {  	_ =	shalt  }
0x77: {  	_ =	shalt  }
0x78: {  	_ =	shalt  }
0x79: {  	_ =	shalt  }
0x7a: {  	_ =	shalt  }
0x7b: {  	_ =	shalt  }
0x7c: {  	_ =	shalt  }
0x7d: {  	_ =	shalt  }
0x7e: {  	_ =	shalt  }
0x7f: {  	_ =	shalt  }
0x80: {  	_ =	shalt  }
0x81: {  	_ =	shalt  }
0x82: {  	_ =	shalt  }
0x83: {  	_ =	shalt  }
0x84: {  	_ =	shalt  }
0x85: {  	_ =	shalt  }
0x86: {  	_ =	shalt  }
0x87: {  	_ =	shalt  }
.Lfunc_end0:
.L_simem_size_0:
called_computation_lowered:
.L_overlay_start_0:
0x88: {  	s2 =	sld [smem:$0x3FD9]  }
0x89: {  	s3 =	sld [smem:$0x3FFE];
	_ =	sdelay $0x1  }
0x8a: {  	s1 =	srdreg.scid  }
0x8b: {  	s0 =	sand.u32 $0x1, s1  }
0x8c: {  	s15 =	sshll.u32 s0, $0xA;
	s2 =	sadd.s32 s3, s2  }
0x8d: {  	s2 =	sadd.s32 s2, s15  }
0x8e: {  	[smem:$0x3FC4] =	sst s2  }
0x8f: {  	_ = 	snop  }
0x90: {  	s2 =	sld [smem:$0x3FC9]  }
0x91: {  	s16 =	sld [smem:$0x3FD0]  }
0x92: {  	s4 =	sld [smem:$0x3FC8]  }
0x93: {  	s5 =	sld [smem:$0x3FC7]  }
0x94: {  	s7 =	simm.s32 $0xA;
	s8 =	simm.s32 $0x10;
	s6 =	sld [smem:$0x3FC6]  }
0x95: {  	[smem:s8], [sflag:s7] =	dma.local [hbm:s16], $0x1  }
0x96: {  	_ =	swait.eq [sflag:s7], $0x1  }
0x97: {  	s17 =	sld [smem:$0x10];
	[sflag:s7] =	ssyncset.done $0x0  }
0x98: {  	s18 =	sld [smem:$0x11];
	[sflag:s7] =	ssyncadd.s32 $0xFFFFFFFF  }
0x99: {  	s19 =	sld [smem:$0x12];
	(tm) =	ssettm $0x1  }
0x9a: {  	s9 =	sld [smem:$0x3FFB];
	_ =	sdelay $0x3  }
0x9b: {  	_ =	strace s9  }
0x9c: {  	s9 =	sld [smem:$0x3FFC];
	_ =	sdelay $0x3  }
0x9d: {  	_ =	strace s9  }
0x9e: {  	s9 =	sld [smem:$0x3FFD];
	_ =	sdelay $0x3  }
0x9f: {  	_ =	strace s9  }
0xa0: {  	_ =	strace $0x8FFFFFFF  }
0xa1: {  	s20 =	sld [smem:$0x3FDB];
	_ =	sdelay $0x1  }
0xa2: {  	s10 =	simm.s32 $_scs_section_size  }
0xa3: {  	s11 =	simm.s32 $_size__tile_overlayer_lowered;
	s12 =	simm.s32 $_tile_overlayer_lowered  }
0xa4: {  	s23 =	simm.s32 $0x1BFF;
	s22 =	sshll.u32 s12, $0x1;
	s9 =	sadd.s32 s10, s20  }
0xa5: {  	s13 =	simm.s32 $0x0;
	s21 =	sshll.u32 s11, $0x1;
	s11 =	sadd.s32 s22, s9  }
0xa6: {  	[timem:s13], [sflag:s23] =	dma.local [hbm:s11], s21  }
0xa7: {  	_ =	swait.ge [sflag:s23], s21  }
0xa8: {  	s10 =	ssub.s32 $0x0, s21;
	[sflag:s23] =	ssyncset.done $0x0  }
0xa9: {  	[sflag:s23] =	ssyncadd.s32 s10;
	_ =	sdelay $0x1  }
0xaa: {  	s24 =	simm.s32 $0x1B8B  }
0xab: {  	_ =	swait.ge [sflag:s24], $0x1  }
0xac: {  	[sflag:s24] =	ssyncset.done $0x0  }
0xad: {  	s25 =	simm.s32 $0x1B8E;
	[sflag:s24] =	ssyncadd.s32 $0xFFFFFFFF  }
0xae: {  	s26 =	simm.s32 $execute0_lowered;
	[smem:$0x3FD2] =	sst s25  }
0xaf: {  	s10 =	sshll.u32 s26, $0x1;
	_ =	strace $0x80000046;
	[dreg:$0x1] =	wrdreg $0xFFFFFFFF  }
0xb0: {  	s28 =	simm.s32 $_size_execute0_lowered;
	s9 =	sadd.s32 s9, s10;
	[dreg:$0x0] =	wrdreg $0x0  }
0xb1: {  	s10 =	sshll.u32 s28, $0x1;
	[dreg:$0x2] =	wrdreg s9  }
0xb2: {  	[dreg:$0x3] =	wrdreg s10  }
0xb3: {  	[dreg:$0x4] =	wrdreg $0xC0  }
0xb4: {  	_ =	task [dreg:s13], $0x5FFFF  }
0xb5: {  	[dreg:$0x1] =	wrdreg $0xFFFFFFFF  }
0xb6: {  	[dreg:$0x0] =	wrdreg $0x60  }
0xb7: {  	[dreg:$0x2] =	wrdreg s2  }
0xb8: {  	[dreg:$0x3] =	wrdreg s4  }
0xb9: {  	[dreg:$0x4] =	wrdreg s5  }
0xba: {  	[dreg:$0x5] =	wrdreg s6  }
0xbb: {  	[dreg:$0x6] =	wrdreg s17  }
0xbc: {  	[dreg:$0x7] =	wrdreg s18  }
0xbd: {  	[dreg:$0x8] =	wrdreg s19  }
0xbe: {  	[dreg:$0x9] =	wrdreg $0x9  }
0xbf: {  	_ =	task.clear_ibuf [dreg:s13], $0xAFFFF;
	_ =	strace $0x90000046  }
0xc0: {  	s29 =	simm.s32 $0x9;
	_ =	strace $0x80000048  }
0xc1: {  	_ =	swait.ge [sflag:s29], $0x1  }
0xc2: {  	[sflag:s29] =	ssyncadd.s32 $0xFFFFFFFF  }
0xc3: {  	_ =	strace $0x90000048  }
0xc4: {  	_ =	sfence  }
0xc5: {  	s30 =	sld [smem:$0x0];
	_ =	sdelay $0x2  }
0xc6: {  	s31 =	sshll.u32 s1, $0xD;
	s1 =	sshrl.u32 s1, $0x2  }
0xc7: {  	s3 =	sand.u32 $0x4000, s31;
	s1 =	sadd.s32 s1, s30  }
0xc8: {  	s0 =	sor.u32 s3, s0;
	s1 =	sshll.u32 s1, $0x11  }
0xc9: {  	s0 =	sor.u32 s1, s0  }
0xca: {  	s0 =	sadd.s32 $0x8F2B, s0  }
0xcb: {  	[sflag:s0] =	ssyncadd.remote.s32 $0x1  }
0xcc: {  	_ =	sfence.sel $0xFFFF  }
0xcd: {  	[dreg:$0x0] =	wrdreg $0xFFFFFFFF;
	(pc) =	sbr.abs _section_cstart, $3  }
0xce: {  	[dreg:$0x1] =	wrdreg $0xFFFFFFFF  }
0xcf: {  	_ =	task.clear_ibuf [dreg:s13], $0x2FFFF;
	_ =	strace $0x9FFFFFFF  }
0xd0: {  	(tm) =	ssettm $0x7FFFFFFF  }
0xd1: {  	_ =	shalt  }
tec
execute0_lowered:
.L_overlay_start_1:
0x0: {  	(tag) =	ssettag $0x1  }
0x1: {  	s0 =	rddreg [dreg:$0x0]  }
0x2: {  	s1 =	rddreg [dreg:$0x1]  }
0x3: {  	s3 =	rddreg [dreg:$0x2]  }
0x4: {  	s4 =	rddreg [dreg:$0x3]  }
0x5: {  	s5 =	rddreg [dreg:$0x4]  }
0x6: {  	s6 =	rddreg [dreg:$0x5]  }
0x7: {  	s7 =	rddreg [dreg:$0x6]  }
0x8: {  	s9 =	srdreg.scid;
	s2 =	rddreg [dreg:$0x7];
	s8 =	simm.s32 $0x0  }
0x9: {  	s13 =	simm.s32 $0x1000;
	s14 =	simm.s32 $0x3000;
	s15 =	simm.s32 $0x6000  }
0xa: {  	s16 =	simm.s32 $0x2000;
	s17 =	simm.s32 $0x4000;
	s18 =	simm.s32 $0x1  }
0xb: {  	s19 =	simm.s32 $0x3;
	s20 =	simm.s32 $0x2;
	s10 =	sand.u32 $0x1, s9  }
0xc: {  	s21 =	simm.s32 $0x0;
	[smem:$0x7FF] =	sst s8;
	s11 =	ssub.s32 $0x2, s10  }
0xd: {  	s9 =	stileid.u32;
	_ =	strace $0x80000047;
	s12 =	sshrl.u32 s11, $0x1  }
0xe: {  	s31 =	sshll.u32 s9, $0x11;
	s10 =	sshll.u32 s10, $0x10;
	s11 =	ssub.s32 s11, s12  }
0xf: {  	s10 =	sor.u32 s10, s31;
	s12 =	simm.s32 $0x4;
	s11 =	smax.u32 s11, $0x1  }
.LBB2_1:
0x10: {  	s22 =	simm.s32 $0x0  }
.LBB2_2:
0x11: {  	s23 =	sshll.u32 s22, $0xC  }
0x12: {  	s23 =	sadd.s32 s10, s23  }
0x13: {  	s24 =	sshrl.u32 s23, $0x3  }
0x14: {  	s25 =	simm.s32 $0x0;
	s26 =	sadd.s32 s4, s24  }
0x15: {  	[tilespmem:s25], [sflag:$0x4] =	stream.linear.gather [hbm4b:s26+s25], $0x1000, $0x38;
	[tilespmem:$0x7000] =	vst v63  }
0x16: {  	_ =	swait.ge [sflag:s12], $0x1000  }
0x17: {  	[sflag:s12] =	ssyncset.done $0x0  }
0x18: {  	[sflag:s12] =	ssyncadd.s32 $0xFFFFF000  }
0x19: {  	[tilespmem:s14], [sflag:$0x1] =	stream.indirect.gather [hbm4b:s0+s13], $0x1, s25, s13, $0xb8;
	[tilespmem:$0x7000] =	vst v63  }
0x1a: {  	_ = 	snop  }
0x1b: {  	[tilespmem:s15], [sflag:$0x3] =	stream.indirect.gather [hbm4b:s3+s13], $0x1, s25, s13, $0xb8;
	[tilespmem:$0x7000] =	vst v63  }
0x1c: {  	v0 =	vld [tilespmem:s25+$0x0];
	_ =	sdelay $0x4  }
0x1d: {  	v1 =	vshra.s32 v0, $0x1F  }
0x1e: {  	v1 =	vshrl.u32 v1, $0x19  }
0x1f: {  	v1 =	vadd.s32 v1, v0  }
0x20: {  	v1 =	vshrl.u32 v1, $0x7  }
0x21: {  	v1 =	vshll.u32 v1, $0x7  }
0x22: {  	s31 =	sand.u32 $0x1F00, s25;
	s28 =	sand.u32 $0x70, s25;
	v2 =	vshll.u32 v0, $0x1;
	v0 =	vsub.s32 v1, v0  }
0x23: {  	s28 =	sor.u32 s28, s31;
	v0 =	vadd.s32 v0, v2  }
0x24: {  	[tilespmem:s28+$0x1000] =	vst v0;
	v0 =	vadd.s32 $0x80, v0  }
0x25: {  	s26 =	simm.s32 $0x10;
	[tilespmem:s28+$0x1080] =	vst v0  }
0x26: {  	s29 =	simm.s32 $0x10;
	s28 =	simm.s32 $0x20;
	v0 =	vld [tilespmem:s26+$0x0]  }
.LBB2_3:
0x27: {  	p0 =	sne.s32 s28, $0xFF0;
	_ =	sdelay $0x3  }
0x28: {  	v1 =	vshra.s32 v0, $0x1F  }
0x29: {  	v1 =	vshrl.u32 v1, $0x19  }
0x2a: {  	v1 =	vadd.s32 v1, v0  }
0x2b: {  	v1 =	vshrl.u32 v1, $0x7  }
0x2c: {  	s25 =	sadd.s32 $0x20, s25;
	v1 =	vshll.u32 v1, $0x7  }
.Ltmp0:
0x2d: {  	s26 =	sand.u32 $0x70, s26;
	s30 =	sand.u32 $0x1F00, s25;
	v2 =	vshll.u32 v0, $0x1;
	v0 =	vsub.s32 v1, v0;
	(pc) =	sbr.rel @p0 .LBB2_3-.Ltmp0, $4  }
0x2e: {  	s30 =	sor.u32 s26, s30;
	s26 =	smov.u32 s28;
	v0 =	vadd.s32 v0, v2  }
0x2f: {  	[tilespmem:s30+$0x1000] =	vst v0;
	v0 =	vadd.s32 $0x80, v0  }
0x30: {  	s29 =	sadd.s32 $0x10, s29;
	[tilespmem:s30+$0x1080] =	vst v0  }
0x31: {  	s28 =	sadd.s32 $0x10, s28;
	v0 =	vld [tilespmem:s29+$0x0]  }
0x32: {  	_ =	sdelay $0x3  }
0x33: {  	v1 =	vshra.s32 v0, $0x1F  }
0x34: {  	v1 =	vshrl.u32 v1, $0x19  }
0x35: {  	v1 =	vadd.s32 v1, v0  }
0x36: {  	v1 =	vshrl.u32 v1, $0x7  }
0x37: {  	s25 =	sadd.s32 $0x20, s25;
	v1 =	vshll.u32 v1, $0x7  }
0x38: {  	s26 =	sand.u32 $0x70, s26;
	s25 =	sand.u32 $0x1F00, s25;
	v2 =	vshll.u32 v0, $0x1;
	v63 =	vsub.s32 v1, v0  }
0x39: {  	s25 =	sor.u32 s26, s25;
	v0 =	vadd.s32 v63, v2  }
0x3a: {  	[tilespmem:s25+$0x1000] =	vst v0;
	v0 =	vadd.s32 $0x80, v0  }
0x3b: {  	[tilespmem:s25+$0x1080] =	vst v0  }
0x3c: {  	[tilespmem:s17], [sflag:$0x2] =	stream.indirect.gather [hbm4b:s1+s16], $0x1, s13, s16, $0xb8;
	[tilespmem:$0x7000] =	vst v63  }
0x3d: {  	_ =	swait.ge [sflag:s18], $0x1000  }
0x3e: {  	[sflag:s18] =	ssyncset.done $0x0  }
0x3f: {  	[sflag:s18] =	ssyncadd.s32 $0xFFFFF000  }
0x40: {  	_ =	swait.ge [sflag:s19], $0x1000  }
0x41: {  	[sflag:s19] =	ssyncset.done $0x0  }
0x42: {  	s30 =	sadd.s32 s5, s24;
	[sflag:s19] =	ssyncadd.s32 $0xFFFFF000  }
0x43: {  	[hbm4b:s30+s8] =	stream.linear.scatter [tilespmem:s14], [sflag:$0x4], $0x1000, $0x38;
	[tilespmem:$0x7000] =	vst v63  }
0x44: {  	_ =	swait.ge [sflag:s12], $0x1000  }
0x45: {  	[sflag:s12] =	ssyncset.done $0x0  }
0x46: {  	s31 =	sadd.s32 s7, s24;
	[sflag:s12] =	ssyncadd.s32 $0xFFFFF000  }
0x47: {  	[hbm4b:s31+s8] =	stream.linear.scatter [tilespmem:s15], [sflag:$0x4], $0x1000, $0x38;
	[tilespmem:$0x7000] =	vst v63  }
0x48: {  	_ =	swait.ge [sflag:s12], $0x1000  }
0x49: {  	[sflag:s12] =	ssyncset.done $0x0  }
0x4a: {  	[sflag:s12] =	ssyncadd.s32 $0xFFFFF000  }
0x4b: {  	s22 =	sadd.s32 $0x1, s22;
	_ =	swait.ge [sflag:s20], $0x2000  }
0x4c: {  	s23 =	sshrl.u32 s23, $0x2;
	p0 =	sne.s32 s22, $0x10;
	[sflag:s20] =	ssyncset.done $0x0  }
.Ltmp1:
0x4d: {  	s23 =	sadd.s32 s6, s23;
	[sflag:s20] =	ssyncadd.s32 $0xFFFFE000;
	(pc) =	sbr.rel @p0 .LBB2_2-.Ltmp1, $4  }
0x4e: {  	[hbm4b:s23+s8] =	stream.linear.scatter [tilespmem:s17], [sflag:$0x4], $0x2000, $0x38;
	[tilespmem:$0x7000] =	vst v63  }
0x4f: {  	_ =	swait.ge [sflag:s12], $0x2000  }
0x50: {  	[sflag:s12] =	ssyncset.done $0x0  }
0x51: {  	[sflag:s12] =	ssyncadd.s32 $0xFFFFE000  }
0x52: {  	s21 =	sadd.s32 $0x1, s21  }
0x53: {  	p0 =	sne.s32 s21, s11  }
.Ltmp2:
0x54: {  	_ = 	snop;
	(pc) =	sbr.rel @p0 .LBB2_1-.Ltmp2, $1  }
0x55: {  	_ =	sdelay $0x3  }
0x56: {  	_ =	sfence.sel $0x180000  }
0x57: {  	[bflag:$0x0] =	sbarrier.arrive $0xFFFF  }
0x58: {  	p0 =	sne.s32 s9, $0x0;
	_ =	strace $0x90000047  }
0x59: {  	s0 =	sadd.s32 @!p0 $0x100000, s2;
	[bflag:$0x2] =	sbarrier.arrive $0xFFFF  }
0x5a: {  	[sflag:s0] =	ssyncadd.tile.s32 @!p0 $0x1;
	_ =	shalt  }
.Lfunc_end2:
_tile_overlayer_lowered:
.L_overlay_start_2:
0x5b: {  	(tag) =	ssettag $0x2  }
0x5c: {  	s0 =	rddreg [dreg:$0x0];
	s2 =	stileid.u32  }
0x5d: {  	s1 =	rddreg [dreg:$0x1];
	p0 =	sne.s32 s2, $0x0  }
0x5e: {  	s3 =	rddreg [dreg:$0x2];
	[bflag:$0x3] =	sbarrier.arrive $0xFFFF;
	s2 =	simm.s32 @!p0 $0x1C04  }
0x5f: {  	[timem:s3], [sflag:s2] =	dma.local @!p0 [hbm:s0], s1  }
0x60: {  	s0 =	simm.s32 @!p0 $0x4  }
0x61: {  	_ =	swait.ge @!p0 [sflag:s0], s1  }
0x62: {  	s1 =	ssub.s32 @!p0 $0x0, s1;
	[sflag:s0] =	ssyncset.done @!p0 $0x0  }
0x63: {  	[sflag:s0] =	ssyncadd.s32 @!p0 s1  }
0x64: {  	[bflag:$0x3] =	sbarrier.arrive $0xFFFF  }
0x65: {  	_ =	shalt  }

</sc_bundles>
